<compile_context>
chip_gen: v7x
topology: tpu7x:2x2x1
jax: 0.10.2.dev20260603
libtpu: 0.0.44.dev20260713+nightly
codegen_flags: <defaults>
</compile_context>

<pallas_src>
import functools

import jax
import jax.numpy as jnp
from jax.experimental import pallas as pl
from jax.experimental.pallas import tpu as pltpu

_BS = 256
_CAPACITY_FACTOR = 1.25
_MIN_CAPACITY = 4
_LOSS_COEF = 0.01


def _gating_kernel(cap_ref, x_ref, w_ref, comb_ref, disp_ref, aux_ref,
                   counts_ref, sumg_ref, summ_ref, auxacc_ref,
                   *, bs, ne, nc, aux_scale):
    g = pl.program_id(0)
    j = pl.program_id(1)
    ng = pl.num_programs(0)
    nj = pl.num_programs(1)

    @pl.when(j == 0)
    def _():
        counts_ref[...] = jnp.zeros_like(counts_ref)
        sumg_ref[...] = jnp.zeros_like(sumg_ref)
        summ_ref[...] = jnp.zeros_like(summ_ref)

    @pl.when((g == 0) & (j == 0))
    def _():
        auxacc_ref[...] = jnp.zeros_like(auxacc_ref)

    x = x_ref[0]
    w = w_ref[...]
    logits = jnp.dot(x, w, preferred_element_type=jnp.float32)

    m = jnp.max(logits, axis=1, keepdims=True)
    p = jnp.exp(logits - m)
    s = jnp.sum(p, axis=1, keepdims=True)
    probs = p / s
    pmax = jnp.max(probs, axis=1, keepdims=True)

    iota_e = jax.lax.broadcasted_iota(jnp.int32, (bs, ne), 1)
    e_idx = jnp.min(jnp.where(probs == pmax, iota_e, ne), axis=1,
                    keepdims=True)
    onehot = (iota_e == e_idx).astype(jnp.float32)

    row = jax.lax.broadcasted_iota(jnp.int32, (bs, bs), 0)
    col = jax.lax.broadcasted_iota(jnp.int32, (bs, bs), 1)
    ltri = (row > col).astype(jnp.float32)
    excl = jnp.dot(ltri, onehot, preferred_element_type=jnp.float32)
    base = counts_ref[...]
    pos = jnp.sum((excl + base) * onehot, axis=1, keepdims=True)
    counts_ref[...] = base + jnp.sum(onehot, axis=0, keepdims=True)

    sumg_ref[...] += jnp.sum(probs, axis=0, keepdims=True)
    summ_ref[...] += jnp.sum(onehot, axis=0, keepdims=True)

    cap = cap_ref[0, 0]
    kept = (pos < cap).astype(jnp.float32)
    oh_kept = onehot * kept
    pos_i = pos.astype(jnp.int32)
    iota_c = jax.lax.broadcasted_iota(jnp.int32, (bs, nc), 1)
    eq_c = (iota_c == pos_i).astype(jnp.float32)

    disp = oh_kept[:, :, None] * eq_c[:, None, :]
    comb = disp * pmax[:, :, None]
    disp_ref[...] = disp
    comb_ref[...] = comb

    @pl.when(j == nj - 1)
    def _():
        auxacc_ref[...] += jnp.sum(sumg_ref[...] * summ_ref[...],
                                   keepdims=True)

    @pl.when((g == ng - 1) & (j == nj - 1))
    def _():
        aux_ref[...] = auxacc_ref[...] * aux_scale


def kernel(inputs, total_token_num, gating_weight):
    g_dim, s_dim, m_dim = inputs.shape
    ne = gating_weight.shape[1]
    static_total = g_dim * s_dim
    capacity = float(int(static_total) / int(ne)) * _CAPACITY_FACTOR
    int_capacity = int(capacity)
    offset = 1 if capacity > float(int_capacity) else 0
    nc = max(offset + int_capacity, _MIN_CAPACITY)

    cap_f = (jnp.float32(nc)
             + (jnp.asarray(total_token_num, jnp.float32) - static_total))
    cap_f = cap_f.reshape(1, 1)

    denom = 1.0 + 1e-6
    aux_scale = (ne * _LOSS_COEF) / (g_dim * (s_dim * denom) ** 2)

    bs = _BS
    grid = (g_dim, s_dim // bs)

    comb, disp, aux = pl.pallas_call(
        functools.partial(_gating_kernel, bs=bs, ne=ne, nc=nc,
                          aux_scale=aux_scale),
        grid=grid,
        in_specs=[
            pl.BlockSpec(memory_space=pltpu.SMEM),
            pl.BlockSpec((1, bs, m_dim), lambda g, j: (g, j, 0)),
            pl.BlockSpec((m_dim, ne), lambda g, j: (0, 0)),
        ],
        out_specs=[
            pl.BlockSpec((bs, ne, nc), lambda g, j: (g * (s_dim // bs) + j, 0, 0)),
            pl.BlockSpec((bs, ne, nc), lambda g, j: (g * (s_dim // bs) + j, 0, 0)),
            pl.BlockSpec((1, 1), lambda g, j: (0, 0)),
        ],
        out_shape=[
            jax.ShapeDtypeStruct((g_dim * s_dim, ne, nc), jnp.float32),
            jax.ShapeDtypeStruct((g_dim * s_dim, ne, nc), jnp.float32),
            jax.ShapeDtypeStruct((1, 1), jnp.float32),
        ],
        scratch_shapes=[
            pltpu.VMEM((1, ne), jnp.float32),
            pltpu.VMEM((1, ne), jnp.float32),
            pltpu.VMEM((1, ne), jnp.float32),
            pltpu.VMEM((1, 1), jnp.float32),
        ],
    )(cap_f, inputs, gating_weight)

    comb = comb.reshape(g_dim, s_dim, ne, nc)
    disp = disp.reshape(g_dim, s_dim, ne, nc)
    return comb, disp, aux[0, 0]

# --- scband reference (transcript-rebuilt; emitter-appended) ---
"""Pipeline reference for scband-switch-gating-33921651704036 (READ-ONLY COPY).

The authoritative reference and input builder live on the scoring server;
editing this copy changes nothing except your own understanding.
"""

import jax, jax.numpy as jnp
import numpy as np

NUM_EXPERTS = 16
HIDDEN_SIZE = 2048
CAPACITY_FACTOR_TRAIN = 1.25
MIN_EXPERT_CAPACITY = 4
LOSS_COEF = 0.01


def setup_inputs(seed: int = 0) -> dict:
    key = jax.random.key(seed)
    k1, k2 = jax.random.split(key)
    inputs = jax.random.normal(k1, (2, 2048, 2048), dtype=jnp.float32)
    gating_weight = jax.random.normal(k2, (HIDDEN_SIZE, NUM_EXPERTS), dtype=jnp.float32) * 0.02
    return {"inputs": inputs, "total_token_num": 4096, "gating_weight": gating_weight}


def reference(inputs, total_token_num, gating_weight):
    # SwitchGating forward, is_training=True, policy='argmax', local_dispatch=True
    num_experts = NUM_EXPERTS
    static_total_token_num = inputs.shape[0] * inputs.shape[1]
    capacity = float(int(static_total_token_num) / int(num_experts)) * float(CAPACITY_FACTOR_TRAIN)
    int_capacity = int(capacity)
    offset = 1 if capacity > float(int_capacity) else 0
    expert_capacity_dim = max(int(offset) + int_capacity, MIN_EXPERT_CAPACITY)

    # logits = einsum('GSM,ME->GSE')
    logits = jnp.einsum('GSM,ME->GSE', inputs, gating_weight)
    raw_gates = jax.nn.softmax(logits, axis=-1)

    expert_index = jnp.argmax(raw_gates, axis=2)
    expert_mask = jax.nn.one_hot(expert_index, num_experts, dtype=jnp.float32)
    density_1_proxy = raw_gates
    importance = jnp.ones_like(expert_mask[:, :, 0])

    gate_1 = jnp.einsum('GSE,GSE->GS', raw_gates, expert_mask)
    # exclusive cumsum along S
    position_in_expert_1 = jnp.cumsum(expert_mask, axis=1) - expert_mask
    capacity_f = jnp.asarray(expert_capacity_dim, dtype=position_in_expert_1.dtype) + (
        jnp.asarray(total_token_num, dtype=position_in_expert_1.dtype) - static_total_token_num
    )

    density_denom = jnp.mean(importance, axis=1)[:, jnp.newaxis] + 1e-06
    density_1 = jnp.mean(expert_mask, axis=1) / density_denom
    density_1_proxy = jnp.mean(density_1_proxy, axis=1) / density_denom

    aux_loss = jnp.mean(density_1_proxy * density_1)
    aux_loss = aux_loss * (num_experts * num_experts * LOSS_COEF)

    expert_mask = expert_mask * (position_in_expert_1 < capacity_f).astype(expert_mask.dtype)
    position_in_expert_1 = jnp.einsum('GSE,GSE->GS', position_in_expert_1, expert_mask)
    mask_1_flat = jnp.einsum('GSE->GS', expert_mask)
    gate_1 = gate_1 * mask_1_flat

    b = jax.nn.one_hot(position_in_expert_1.astype(jnp.int32), expert_capacity_dim, dtype=jnp.float32)
    a = jnp.expand_dims(gate_1 * mask_1_flat, -1) * jax.nn.one_hot(expert_index, num_experts, dtype=jnp.float32)
    combine_tensor = jnp.einsum('GSE,GSC->GSEC', a, b)
    dispatch_mask = combine_tensor.astype(bool).astype(jnp.float32)
    # call() returns (combine_tensor, dispatch_mask, aux_loss); local_dispatch=True so no reshape
    return (combine_tensor, dispatch_mask, aux_loss)

if __name__ == "__main__":
    import jax
    _d = setup_inputs()
    print(jax.jit(kernel)(*tuple(_d.values())))

</pallas_src>

<mosaic_0001>
module attributes {stable_mosaic.version = 14 : i64} {
  func.func @_gating_kernel(%arg0: i32, %arg1: i32, %arg2: memref<1x1xf32, #tpu.memory_space<smem>>, %arg3: memref<1x256x2048xf32, #tpu.memory_space<vmem>>, %arg4: memref<2048x16xf32, #tpu.memory_space<vmem>>, %arg5: memref<256x16x320xf32, #tpu.memory_space<vmem>>, %arg6: memref<256x16x320xf32, #tpu.memory_space<vmem>>, %arg7: memref<1x1xf32, #tpu.memory_space<vmem>>, %arg8: memref<1x16xf32, #tpu.memory_space<vmem>>, %arg9: memref<1x16xf32, #tpu.memory_space<vmem>>, %arg10: memref<1x16xf32, #tpu.memory_space<vmem>>, %arg11: memref<1x1xf32, #tpu.memory_space<vmem>>) attributes {dimension_semantics = [#tpu.dimension_semantics<arbitrary>, #tpu.dimension_semantics<arbitrary>], iteration_bounds = array<i64: 2, 8>, scalar_prefetch = 0 : i64, scratch_operands = 4 : i64, tpu.core_type = #tpu.core_type<tc>, window_params = [{transform_indices = @transform_0, window_bounds = array<i64: 1, 1>}, {transform_indices = @transform_1, window_bounds = array<i64: 1, 256, 2048>}, {pipeline_mode = #tpu.pipeline_mode<synchronous>, transform_indices = @transform_2, window_bounds = array<i64: 2048, 16>}, {transform_indices = @transform_3, window_bounds = array<i64: 256, 16, 320>}, {transform_indices = @transform_4, window_bounds = array<i64: 256, 16, 320>}, {pipeline_mode = #tpu.pipeline_mode<synchronous>, transform_indices = @transform_5, window_bounds = array<i64: 1, 1>}]} {
    %eq3A = arith.constant 0 : i32
    %eq3A_0 = arith.cmpi eq, %arg1, %eq3A : i32
    %convert_element_type3A = arith.extui %eq3A_0 : i1 to i32
    %cond3A = arith.constant 0 : i32
    %cond3A_1 = arith.cmpi ne, %convert_element_type3A, %cond3A : i32
    scf.if %cond3A_1 {
      %broadcast_in_dim3A_116 = arith.constant 0.000000e+00 : f32
      %broadcast_in_dim3A_117 = vector.broadcast %broadcast_in_dim3A_116 : f32 to vector<1x16xf32>
      %swap3A_118 = arith.constant 0 : index
      %swap3A_119 = arith.constant 0 : index
      %swap3A_120 = vector.load %arg8[%swap3A_118, %swap3A_119] : memref<1x16xf32, #tpu.memory_space<vmem>>, vector<1x16xf32>
      tpu.vector_store %arg8[%swap3A_118, %swap3A_119], %broadcast_in_dim3A_117 {strides = array<i32>} : memref<1x16xf32, #tpu.memory_space<vmem>>, vector<1x16xf32>,
      %broadcast_in_dim3A_121 = arith.constant 0.000000e+00 : f32
      %broadcast_in_dim3A_122 = vector.broadcast %broadcast_in_dim3A_121 : f32 to vector<1x16xf32>
      %swap3A_123 = arith.constant 0 : index
      %swap3A_124 = arith.constant 0 : index
      %swap3A_125 = vector.load %arg9[%swap3A_123, %swap3A_124] : memref<1x16xf32, #tpu.memory_space<vmem>>, vector<1x16xf32>
      tpu.vector_store %arg9[%swap3A_123, %swap3A_124], %broadcast_in_dim3A_122 {strides = array<i32>} : memref<1x16xf32, #tpu.memory_space<vmem>>, vector<1x16xf32>,
      %broadcast_in_dim3A_126 = arith.constant 0.000000e+00 : f32
      %broadcast_in_dim3A_127 = vector.broadcast %broadcast_in_dim3A_126 : f32 to vector<1x16xf32>
      %swap3A_128 = arith.constant 0 : index
      %swap3A_129 = arith.constant 0 : index
      %swap3A_130 = vector.load %arg10[%swap3A_128, %swap3A_129] : memref<1x16xf32, #tpu.memory_space<vmem>>, vector<1x16xf32>
      tpu.vector_store %arg10[%swap3A_128, %swap3A_129], %broadcast_in_dim3A_127 {strides = array<i32>} : memref<1x16xf32, #tpu.memory_space<vmem>>, vector<1x16xf32>,
    } else {
    }
    %eq3A_2 = arith.constant 0 : i32
    %eq3A_3 = arith.cmpi eq, %arg0, %eq3A_2 : i32
    %eq3A_4 = arith.constant 0 : i32
    %eq3A_5 = arith.cmpi eq, %arg1, %eq3A_4 : i32
    %and3A = arith.andi %eq3A_3, %eq3A_5 : i1
    %convert_element_type3A_6 = arith.extui %and3A : i1 to i32
    %cond3A_7 = arith.constant 0 : i32
    %cond3A_8 = arith.cmpi ne, %convert_element_type3A_6, %cond3A_7 : i32
    scf.if %cond3A_8 {
      %broadcast_in_dim3A_116 = arith.constant 0.000000e+00 : f32
      %broadcast_in_dim3A_117 = vector.broadcast %broadcast_in_dim3A_116 : f32 to vector<1x1xf32>
      %swap3A_118 = arith.constant 0 : index
      %swap3A_119 = arith.constant 0 : index
      %swap3A_120 = vector.load %arg11[%swap3A_118, %swap3A_119] : memref<1x1xf32, #tpu.memory_space<vmem>>, vector<1x1xf32>
      tpu.vector_store %arg11[%swap3A_118, %swap3A_119], %broadcast_in_dim3A_117 {strides = array<i32>} : memref<1x1xf32, #tpu.memory_space<vmem>>, vector<1x1xf32>,
    } else {
    }
    %get3A = arith.constant 0 : index
    %get3A_9 = arith.constant 0 : index
    %get3A_10 = arith.constant 0 : index
    %get3A_11 = vector.load %arg3[%get3A, %get3A_9, %get3A_10] : memref<1x256x2048xf32, #tpu.memory_space<vmem>>, vector<1x256x2048xf32>
    %get3A_12 = vector.shape_cast %get3A_11 : vector<1x256x2048xf32> to vector<256x2048xf32>
    %get3A_13 = arith.constant 0 : index
    %get3A_14 = arith.constant 0 : index
    %get3A_15 = vector.load %arg4[%get3A_13, %get3A_14] : memref<2048x16xf32, #tpu.memory_space<vmem>>, vector<2048x16xf32>
    %dot_general3A = arith.constant dense<0.000000e+00> : vector<256x16xf32>
    %dot_general3A_16 = tpu.matmul %get3A_12, %get3A_15, %dot_general3A {dimension_numbers = #tpu.dot_dimension_numbers<[1], [0], [0], [1], [0, 0, 1, 1], [], []>, transpose_lhs_hint = false} : vector<256x2048xf32>, vector<2048x16xf32>, vector<256x16xf32> -> vector<256x16xf32>
    %reduce_max3A = arith.constant dense<0xFF800000> : vector<256xf32>
    %reduce_max3A_17 = vector.multi_reduction <maximumf>, %dot_general3A_16, %reduce_max3A [1] : vector<256x16xf32> to vector<256xf32>
    %broadcast_in_dim3A = vector.shape_cast %reduce_max3A_17 : vector<256xf32> to vector<256x1xf32>
    %sub3A = vector.broadcast %broadcast_in_dim3A : vector<256x1xf32> to vector<256x16xf32>
    %sub3A_18 = arith.subf %dot_general3A_16, %sub3A : vector<256x16xf32>
    %exp3A = math.exp %sub3A_18 : vector<256x16xf32>
    %reduce_sum3A = arith.constant dense<0.000000e+00> : vector<256xf32>
    %reduce_sum3A_19 = vector.multi_reduction <add>, %exp3A, %reduce_sum3A [1] : vector<256x16xf32> to vector<256xf32>
    %broadcast_in_dim3A_20 = vector.shape_cast %reduce_sum3A_19 : vector<256xf32> to vector<256x1xf32>
    %div3A = vector.broadcast %broadcast_in_dim3A_20 : vector<256x1xf32> to vector<256x16xf32>
    %div3A_21 = arith.divf %exp3A, %div3A : vector<256x16xf32>
    %reduce_max3A_22 = arith.constant dense<0xFF800000> : vector<256xf32>
    %reduce_max3A_23 = vector.multi_reduction <maximumf>, %div3A_21, %reduce_max3A_22 [1] : vector<256x16xf32> to vector<256xf32>
    %broadcast_in_dim3A_24 = vector.shape_cast %reduce_max3A_23 : vector<256xf32> to vector<256x1xf32>
    %iota3A = tpu.iota {dimensions = array<i32: 1>} : vector<256x16xi32>
    %eq3A_25 = vector.broadcast %broadcast_in_dim3A_24 : vector<256x1xf32> to vector<256x16xf32>
    %eq3A_26 = arith.cmpf oeq, %div3A_21, %eq3A_25 : vector<256x16xf32>
    %jit3A = arith.constant 16 : i32
    %broadcast_in_dim3A_27 = vector.broadcast %jit3A : i32 to vector<256x16xi32>
    %select_n3A = arith.select %eq3A_26, %iota3A, %broadcast_in_dim3A_27 : vector<256x16xi1>, vector<256x16xi32>
    %reduce_min3A = arith.constant dense<2147483647> : vector<256xi32>
    %reduce_min3A_28 = vector.multi_reduction <minsi>, %select_n3A, %reduce_min3A [1] : vector<256x16xi32> to vector<256xi32>
    %broadcast_in_dim3A_29 = vector.shape_cast %reduce_min3A_28 : vector<256xi32> to vector<256x1xi32>
    %eq3A_30 = vector.broadcast %broadcast_in_dim3A_29 : vector<256x1xi32> to vector<256x16xi32>
    %eq3A_31 = arith.cmpi eq, %iota3A, %eq3A_30 : vector<256x16xi32>
    %convert_element_type3A_32 = arith.extui %eq3A_31 : vector<256x16xi1> to vector<256x16xi32>
    %convert_element_type3A_33 = arith.sitofp %convert_element_type3A_32 : vector<256x16xi32> to vector<256x16xf32>
    %iota3A_34 = tpu.iota {dimensions = array<i32: 0>} : vector<256x256xi32>
    %iota3A_35 = tpu.iota {dimensions = array<i32: 1>} : vector<256x256xi32>
    %gt3A = arith.cmpi sgt, %iota3A_34, %iota3A_35 : vector<256x256xi32>
    %convert_element_type3A_36 = arith.extui %gt3A : vector<256x256xi1> to vector<256x256xi32>
    %convert_element_type3A_37 = arith.sitofp %convert_element_type3A_36 : vector<256x256xi32> to vector<256x256xf32>
    %dot_general3A_38 = arith.constant dense<0.000000e+00> : vector<256x16xf32>
    %dot_general3A_39 = tpu.matmul %convert_element_type3A_37, %convert_element_type3A_33, %dot_general3A_38 {dimension_numbers = #tpu.dot_dimension_numbers<[1], [0], [0], [1], [0, 0, 1, 1], [], []>, transpose_lhs_hint = false} : vector<256x256xf32>, vector<256x16xf32>, vector<256x16xf32> -> vector<256x16xf32>
    %get3A_40 = arith.constant 0 : index
    %get3A_41 = arith.constant 0 : index
    %get3A_42 = vector.load %arg8[%get3A_40, %get3A_41] : memref<1x16xf32, #tpu.memory_space<vmem>>, vector<1x16xf32>
    %add3A = vector.broadcast %get3A_42 : vector<1x16xf32> to vector<256x16xf32>
    %add3A_43 = arith.addf %dot_general3A_39, %add3A : vector<256x16xf32>
    %mul3A = arith.mulf %add3A_43, %convert_element_type3A_33 : vector<256x16xf32>
    %reduce_sum3A_44 = arith.constant dense<0.000000e+00> : vector<256xf32>
    %reduce_sum3A_45 = vector.multi_reduction <add>, %mul3A, %reduce_sum3A_44 [1] : vector<256x16xf32> to vector<256xf32>
    %broadcast_in_dim3A_46 = vector.shape_cast %reduce_sum3A_45 : vector<256xf32> to vector<256x1xf32>
    %reduce_sum3A_47 = arith.constant dense<0.000000e+00> : vector<16xf32>
    %reduce_sum3A_48 = vector.multi_reduction <add>, %convert_element_type3A_33, %reduce_sum3A_47 [0] : vector<256x16xf32> to vector<16xf32>
    %broadcast_in_dim3A_49 = vector.shape_cast %reduce_sum3A_48 : vector<16xf32> to vector<1x16xf32>
    %add3A_50 = arith.addf %get3A_42, %broadcast_in_dim3A_49 : vector<1x16xf32>
    %swap3A = arith.constant 0 : index
    %swap3A_51 = arith.constant 0 : index
    %swap3A_52 = vector.load %arg8[%swap3A, %swap3A_51] : memref<1x16xf32, #tpu.memory_space<vmem>>, vector<1x16xf32>
    tpu.vector_store %arg8[%swap3A, %swap3A_51], %add3A_50 {strides = array<i32>} : memref<1x16xf32, #tpu.memory_space<vmem>>, vector<1x16xf32>,
    %get3A_53 = arith.constant 0 : index
    %get3A_54 = arith.constant 0 : index
    %get3A_55 = vector.load %arg9[%get3A_53, %get3A_54] : memref<1x16xf32, #tpu.memory_space<vmem>>, vector<1x16xf32>
    %reduce_sum3A_56 = arith.constant dense<0.000000e+00> : vector<16xf32>
    %reduce_sum3A_57 = vector.multi_reduction <add>, %div3A_21, %reduce_sum3A_56 [0] : vector<256x16xf32> to vector<16xf32>
    %broadcast_in_dim3A_58 = vector.shape_cast %reduce_sum3A_57 : vector<16xf32> to vector<1x16xf32>
    %add3A_59 = arith.addf %get3A_55, %broadcast_in_dim3A_58 : vector<1x16xf32>
    %swap3A_60 = arith.constant 0 : index
    %swap3A_61 = arith.constant 0 : index
    %swap3A_62 = vector.load %arg9[%swap3A_60, %swap3A_61] : memref<1x16xf32, #tpu.memory_space<vmem>>, vector<1x16xf32>
    tpu.vector_store %arg9[%swap3A_60, %swap3A_61], %add3A_59 {strides = array<i32>} : memref<1x16xf32, #tpu.memory_space<vmem>>, vector<1x16xf32>,
    %get3A_63 = arith.constant 0 : index
    %get3A_64 = arith.constant 0 : index
    %get3A_65 = vector.load %arg10[%get3A_63, %get3A_64] : memref<1x16xf32, #tpu.memory_space<vmem>>, vector<1x16xf32>
    %reduce_sum3A_66 = arith.constant dense<0.000000e+00> : vector<16xf32>
    %reduce_sum3A_67 = vector.multi_reduction <add>, %convert_element_type3A_33, %reduce_sum3A_66 [0] : vector<256x16xf32> to vector<16xf32>
    %broadcast_in_dim3A_68 = vector.shape_cast %reduce_sum3A_67 : vector<16xf32> to vector<1x16xf32>
    %add3A_69 = arith.addf %get3A_65, %broadcast_in_dim3A_68 : vector<1x16xf32>
    %swap3A_70 = arith.constant 0 : index
    %swap3A_71 = arith.constant 0 : index
    %swap3A_72 = vector.load %arg10[%swap3A_70, %swap3A_71] : memref<1x16xf32, #tpu.memory_space<vmem>>, vector<1x16xf32>
    tpu.vector_store %arg10[%swap3A_70, %swap3A_71], %add3A_69 {strides = array<i32>} : memref<1x16xf32, #tpu.memory_space<vmem>>, vector<1x16xf32>,
    %get3A_73 = arith.constant 0 : index
    %get3A_74 = arith.constant 0 : index
    %get3A_75 = memref.load %arg2[%get3A_73, %get3A_74] : memref<1x1xf32, #tpu.memory_space<smem>>
    %lt3A = vector.broadcast %get3A_75 : f32 to vector<256x1xf32>
    %lt3A_76 = arith.cmpf olt, %broadcast_in_dim3A_46, %lt3A : vector<256x1xf32>
    %convert_element_type3A_77 = arith.extui %lt3A_76 : vector<256x1xi1> to vector<256x1xi32>
    %convert_element_type3A_78 = arith.sitofp %convert_element_type3A_77 : vector<256x1xi32> to vector<256x1xf32>
    %mul3A_79 = vector.broadcast %convert_element_type3A_78 : vector<256x1xf32> to vector<256x16xf32>
    %mul3A_80 = arith.mulf %convert_element_type3A_33, %mul3A_79 : vector<256x16xf32>
    %convert_element_type3A_81 = arith.fptosi %broadcast_in_dim3A_46 : vector<256x1xf32> to vector<256x1xi32>
    %iota3A_82 = tpu.iota {dimensions = array<i32: 1>} : vector<256x320xi32>
    %eq3A_83 = vector.broadcast %convert_element_type3A_81 : vector<256x1xi32> to vector<256x320xi32>
    %eq3A_84 = arith.cmpi eq, %iota3A_82, %eq3A_83 : vector<256x320xi32>
    %convert_element_type3A_85 = arith.extui %eq3A_84 : vector<256x320xi1> to vector<256x320xi32>
    %convert_element_type3A_86 = arith.sitofp %convert_element_type3A_85 : vector<256x320xi32> to vector<256x320xf32>
    %broadcast_in_dim3A_87 = vector.shape_cast %mul3A_80 : vector<256x16xf32> to vector<256x16x1xf32>
    %broadcast_in_dim3A_88 = vector.shape_cast %convert_element_type3A_86 : vector<256x320xf32> to vector<256x1x320xf32>
    %mul3A_89 = vector.broadcast %broadcast_in_dim3A_87 : vector<256x16x1xf32> to vector<256x16x320xf32>
    %mul3A_90 = vector.broadcast %broadcast_in_dim3A_88 : vector<256x1x320xf32> to vector<256x16x320xf32>
    %mul3A_91 = arith.mulf %mul3A_89, %mul3A_90 : vector<256x16x320xf32>
    %broadcast_in_dim3A_92 = vector.shape_cast %broadcast_in_dim3A_24 : vector<256x1xf32> to vector<256x1x1xf32>
    %mul3A_93 = vector.broadcast %broadcast_in_dim3A_92 : vector<256x1x1xf32> to vector<256x16x320xf32>
    %mul3A_94 = arith.mulf %mul3A_91, %mul3A_93 : vector<256x16x320xf32>
    %swap3A_95 = arith.constant 0 : index
    %swap3A_96 = arith.constant 0 : index
    %swap3A_97 = arith.constant 0 : index
    %swap3A_98 = vector.load %arg6[%swap3A_95, %swap3A_96, %swap3A_97] : memref<256x16x320xf32, #tpu.memory_space<vmem>>, vector<256x16x320xf32>
    tpu.vector_store %arg6[%swap3A_95, %swap3A_96, %swap3A_97], %mul3A_91 {strides = array<i32>} : memref<256x16x320xf32, #tpu.memory_space<vmem>>, vector<256x16x320xf32>,
    %swap3A_99 = arith.constant 0 : index
    %swap3A_100 = arith.constant 0 : index
    %swap3A_101 = arith.constant 0 : index
    %swap3A_102 = vector.load %arg5[%swap3A_99, %swap3A_100, %swap3A_101] : memref<256x16x320xf32, #tpu.memory_space<vmem>>, vector<256x16x320xf32>
    tpu.vector_store %arg5[%swap3A_99, %swap3A_100, %swap3A_101], %mul3A_94 {strides = array<i32>} : memref<256x16x320xf32, #tpu.memory_space<vmem>>, vector<256x16x320xf32>,
    %eq3A_103 = arith.constant 7 : i32
    %eq3A_104 = arith.cmpi eq, %arg1, %eq3A_103 : i32
    %convert_element_type3A_105 = arith.extui %eq3A_104 : i1 to i32
    %cond3A_106 = arith.constant 0 : i32
    %cond3A_107 = arith.cmpi ne, %convert_element_type3A_105, %cond3A_106 : i32
    scf.if %cond3A_107 {
      %get3A_116 = arith.constant 0 : index
      %get3A_117 = arith.constant 0 : index
      %get3A_118 = vector.load %arg11[%get3A_116, %get3A_117] : memref<1x1xf32, #tpu.memory_space<vmem>>, vector<1x1xf32>
      %get3A_119 = arith.constant 0 : index
      %get3A_120 = arith.constant 0 : index
      %get3A_121 = vector.load %arg9[%get3A_119, %get3A_120] : memref<1x16xf32, #tpu.memory_space<vmem>>, vector<1x16xf32>
      %get3A_122 = arith.constant 0 : index
      %get3A_123 = arith.constant 0 : index
      %get3A_124 = vector.load %arg10[%get3A_122, %get3A_123] : memref<1x16xf32, #tpu.memory_space<vmem>>, vector<1x16xf32>
      %mul3A_125 = arith.mulf %get3A_121, %get3A_124 : vector<1x16xf32>
      %reduce_sum3A_126 = vector.shape_cast %mul3A_125 : vector<1x16xf32> to vector<1x1x16xf32>
      %reduce_sum3A_127 = arith.constant dense<0.000000e+00> : vector<1xf32>
      %reduce_sum3A_128 = vector.multi_reduction <add>, %reduce_sum3A_126, %reduce_sum3A_127 [1, 2] : vector<1x1x16xf32> to vector<1xf32>
      %reduce_sum3A_129 = vector.shape_cast %reduce_sum3A_128 : vector<1xf32> to vector<1x1x1xf32>
      %reduce_sum3A_130 = vector.extract %reduce_sum3A_129[0, 0, 0] : f32 from vector<1x1x1xf32>
      %broadcast_in_dim3A_131 = vector.broadcast %reduce_sum3A_130 : f32 to vector<1x1xf32>
      %add3A_132 = arith.addf %get3A_118, %broadcast_in_dim3A_131 : vector<1x1xf32>
      %swap3A_133 = arith.constant 0 : index
      %swap3A_134 = arith.constant 0 : index
      %swap3A_135 = vector.load %arg11[%swap3A_133, %swap3A_134] : memref<1x1xf32, #tpu.memory_space<vmem>>, vector<1x1xf32>
      tpu.vector_store %arg11[%swap3A_133, %swap3A_134], %add3A_132 {strides = array<i32>} : memref<1x1xf32, #tpu.memory_space<vmem>>, vector<1x1xf32>,
    } else {
    }
    %eq3A_108 = arith.constant 1 : i32
    %eq3A_109 = arith.cmpi eq, %arg0, %eq3A_108 : i32
    %eq3A_110 = arith.constant 7 : i32
    %eq3A_111 = arith.cmpi eq, %arg1, %eq3A_110 : i32
    %and3A_112 = arith.andi %eq3A_109, %eq3A_111 : i1
    %convert_element_type3A_113 = arith.extui %and3A_112 : i1 to i32
    %cond3A_114 = arith.constant 0 : i32
    %cond3A_115 = arith.cmpi ne, %convert_element_type3A_113, %cond3A_114 : i32
    scf.if %cond3A_115 {
      %get3A_116 = arith.constant 0 : index
      %get3A_117 = arith.constant 0 : index
      %get3A_118 = vector.load %arg11[%get3A_116, %get3A_117] : memref<1x1xf32, #tpu.memory_space<vmem>>, vector<1x1xf32>
      %mul3A_119 = arith.constant 1.90734486E-8 : f32
      %mul3A_120 = vector.broadcast %mul3A_119 : f32 to vector<1x1xf32>
      %mul3A_121 = arith.mulf %get3A_118, %mul3A_120 : vector<1x1xf32>
      %swap3A_122 = arith.constant 0 : index
      %swap3A_123 = arith.constant 0 : index
      %swap3A_124 = vector.load %arg7[%swap3A_122, %swap3A_123] : memref<1x1xf32, #tpu.memory_space<vmem>>, vector<1x1xf32>
      tpu.vector_store %arg7[%swap3A_122, %swap3A_123], %mul3A_121 {strides = array<i32>} : memref<1x1xf32, #tpu.memory_space<vmem>>, vector<1x1xf32>,
    } else {
    }
    return
  }
  func.func @transform_0(%arg0: i32, %arg1: i32) -> (i32, i32) {
    %c0_i32 = arith.constant 0 : i32
    %c0_i32_0 = arith.constant 0 : i32
    %c0_i32_1 = arith.constant 0 : i32
    return %c0_i32, %c0_i32_0 : i32, i32
  }
  func.func @transform_1(%arg0: i32, %arg1: i32) -> (i32, i32, i32) {
    %c0_i32 = arith.constant 0 : i32
    %c0_i32_0 = arith.constant 0 : i32
    return %arg0, %arg1, %c0_i32 : i32, i32, i32
  }
  func.func @transform_2(%arg0: i32, %arg1: i32) -> (i32, i32) {
    %c0_i32 = arith.constant 0 : i32
    %c0_i32_0 = arith.constant 0 : i32
    %c0_i32_1 = arith.constant 0 : i32
    return %c0_i32, %c0_i32_0 : i32, i32
  }
  func.func @transform_3(%arg0: i32, %arg1: i32) -> (i32, i32, i32) {
    %mul3A = arith.constant 8 : i32
    %mul3A_0 = arith.muli %arg0, %mul3A : i32
    %add3A = arith.addi %mul3A_0, %arg1 : i32
    %c0_i32 = arith.constant 0 : i32
    %c0_i32_1 = arith.constant 0 : i32
    %c0_i32_2 = arith.constant 0 : i32
    return %add3A, %c0_i32, %c0_i32_1 : i32, i32, i32
  }
  func.func @transform_4(%arg0: i32, %arg1: i32) -> (i32, i32, i32) {
    %mul3A = arith.constant 8 : i32
    %mul3A_0 = arith.muli %arg0, %mul3A : i32
    %add3A = arith.addi %mul3A_0, %arg1 : i32
    %c0_i32 = arith.constant 0 : i32
    %c0_i32_1 = arith.constant 0 : i32
    %c0_i32_2 = arith.constant 0 : i32
    return %add3A, %c0_i32, %c0_i32_1 : i32, i32, i32
  }
  func.func @transform_5(%arg0: i32, %arg1: i32) -> (i32, i32) {
    %c0_i32 = arith.constant 0 : i32
    %c0_i32_0 = arith.constant 0 : i32
    %c0_i32_1 = arith.constant 0 : i32
    return %c0_i32, %c0_i32_0 : i32, i32
  }
}

</mosaic_0001>

<sc_bundles>
// kernel: sparse-core-data-format-call.1.cloned.1.call-start
scs
called_computation.1_lowered:
.L_overlay_start_0:
0x0: {  	s2 =	sld [smem:$0x3FD9]  }
0x1: {  	s3 =	sld [smem:$0x3FFE];
	_ =	sdelay $0x1  }
0x2: {  	s1 =	srdreg.scid  }
0x3: {  	s0 =	sand.u32 $0x1, s1  }
0x4: {  	s16 =	sshll.u32 s0, $0xA;
	s2 =	sadd.s32 s3, s2  }
0x5: {  	s2 =	sadd.s32 s2, s16  }
0x6: {  	[smem:$0x3FC5] =	sst s2  }
0x7: {  	_ = 	snop  }
0x8: {  	s2 =	sld [smem:$0x3FD0];
	_ =	sdelay $0x2  }
0x9: {  	s17 =	simm.s32 $0xB;
	s4 =	simm.s32 $0x10  }
0xa: {  	[smem:s4], [sflag:s17] =	dma.local [hbm:s2], $0x1  }
0xb: {  	_ =	swait.eq [sflag:s17], $0x1  }
0xc: {  	[sflag:s17] =	ssyncset.done $0x0  }
0xd: {  	[sflag:s17] =	ssyncadd.s32 $0xFFFFFFFF  }
0xe: {  	s18 =	sld [smem:$0x10];
	(tm) =	ssettm $0x1  }
0xf: {  	s19 =	sld [smem:$0x3FFB];
	_ =	sdelay $0x3  }
0x10: {  	_ =	strace s19  }
0x11: {  	s2 =	sld [smem:$0x3FFC];
	_ =	sdelay $0x3  }
0x12: {  	_ =	strace s2  }
0x13: {  	s2 =	sld [smem:$0x3FFD];
	_ =	sdelay $0x3  }
0x14: {  	_ =	strace s2  }
0x15: {  	_ =	strace $0x8FFFFFFF  }
0x16: {  	s20 =	sld [smem:$0x3FDB];
	_ =	sdelay $0x1  }
0x17: {  	s21 =	simm.s32 $_scs_section_size  }
0x18: {  	s5 =	simm.s32 $_size__tile_overlayer_lowered;
	s6 =	simm.s32 $_tile_overlayer_lowered  }
0x19: {  	s7 =	simm.s32 $0x1BFF;
	s22 =	sshll.u32 s6, $0x1;
	s4 =	sadd.s32 s21, s20  }
0x1a: {  	s23 =	simm.s32 $0x0;
	s5 =	sshll.u32 s5, $0x1;
	s6 =	sadd.s32 s22, s4  }
0x1b: {  	[timem:s23], [sflag:s7] =	dma.local [hbm:s6], s5  }
0x1c: {  	_ =	swait.ge [sflag:s7], s5  }
0x1d: {  	s5 =	ssub.s32 $0x0, s5;
	[sflag:s7] =	ssyncset.done $0x0  }
0x1e: {  	[sflag:s7] =	ssyncadd.s32 s5;
	_ =	sdelay $0x1  }
0x1f: {  	s24 =	simm.s32 $0x1B8B  }
0x20: {  	_ =	swait.ge [sflag:s24], $0x1  }
0x21: {  	[sflag:s24] =	ssyncset.done $0x0  }
0x22: {  	[sflag:s24] =	ssyncadd.s32 $0xFFFFFFFF  }
0x23: {  	s5 =	sld [smem:$0x0]  }
0x24: {  	s6 =	sand.u32 $0xFFFFFFFE, s1  }
0x25: {  	p0 =	sne.s32 s1, s6  }
0x26: {  	s6 =	sshll.u32 @p0 s6, $0xE  }
0x27: {  	s6 =	sadd.s32 @p0 $0x11B8D, s6;
	s7 =	sshll.u32 @p0 s5, $0x11  }
0x28: {  	s6 =	sor.u32 @p0 s7, s6  }
0x29: {  	[sflag:s6] =	ssyncadd.remote.s32 @p0 $0x1;
	_ =	sdelay $0x1  }
0x2a: {  	s6 =	simm.s32 @p0 $0x1B8D  }
0x2b: {  	_ =	swait.eq @p0 [sflag:s6], $0x1  }
0x2c: {  	[sflag:s6] =	ssyncadd.s32 @p0 $0xFFFFFFFF  }
0x2d: {  	s7 =	sshll.u32 @!p0 s1, $0xE  }
0x2e: {  	s7 =	sor.u32 @!p0 $0x4000, s7;
	s6 =	simm.s32 @!p0 $0x1B8D  }
0x2f: {  	s5 =	sshll.u32 @!p0 s5, $0x11;
	s7 =	sadd.s32 @!p0 $0x11B8D, s7;
	_ =	swait.eq @!p0 [sflag:s6], $0x1  }
0x30: {  	s5 =	sor.u32 @!p0 s5, s7;
	[sflag:s6] =	ssyncadd.s32 @!p0 $0xFFFFFFFF  }
0x31: {  	s26 =	simm.s32 $0x1B8E;
	s25 =	sld [smem:$0x3FFE];
	[sflag:s5] =	ssyncadd.remote.s32 @!p0 $0x1  }
0x32: {  	s27 =	simm.s32 $execute0_lowered;
	[smem:$0x3FD2] =	sst s26  }
0x33: {  	s6 =	sshll.u32 s27, $0x1;
	_ =	strace $0x80000049;
	[dreg:$0x1] =	wrdreg $0xFFFFFFFF  }
0x34: {  	s28 =	simm.s32 $_size_execute0_lowered;
	s4 =	sadd.s32 s4, s6;
	[dreg:$0x0] =	wrdreg $0x0  }
0x35: {  	s6 =	sshll.u32 s28, $0x1;
	[dreg:$0x2] =	wrdreg s4  }
0x36: {  	[dreg:$0x3] =	wrdreg s6  }
0x37: {  	[dreg:$0x4] =	wrdreg $0xC0  }
0x38: {  	_ =	task [dreg:s23], $0x5FFFF  }
0x39: {  	[dreg:$0x1] =	wrdreg $0xFFFFFFFF  }
0x3a: {  	[dreg:$0x0] =	wrdreg $0x60  }
0x3b: {  	[dreg:$0x2] =	wrdreg s25  }
0x3c: {  	[dreg:$0x3] =	wrdreg s18  }
0x3d: {  	[dreg:$0x4] =	wrdreg $0xA  }
0x3e: {  	_ =	task.clear_ibuf [dreg:s23], $0x5FFFF;
	_ =	strace $0x90000049  }
0x3f: {  	s29 =	simm.s32 $0xA;
	_ =	strace $0x8000004B  }
0x40: {  	_ =	swait.ge [sflag:s29], $0x1  }
0x41: {  	[sflag:s29] =	ssyncadd.s32 $0xFFFFFFFF  }
0x42: {  	_ =	strace $0x9000004B  }
0x43: {  	_ =	sfence  }
0x44: {  	s30 =	sld [smem:$0x0];
	_ =	sdelay $0x2  }
0x45: {  	s31 =	sshll.u32 s1, $0xD;
	s1 =	sshrl.u32 s1, $0x2  }
0x46: {  	s4 =	sand.u32 $0x4000, s31;
	s1 =	sadd.s32 s1, s30  }
0x47: {  	s0 =	sor.u32 s4, s0;
	s1 =	sshll.u32 s1, $0x11  }
0x48: {  	s0 =	sor.u32 s1, s0  }
0x49: {  	s0 =	sadd.s32 $0x8F2B, s0  }
0x4a: {  	[sflag:s0] =	ssyncadd.remote.s32 $0x1  }
0x4b: {  	_ =	sfence.sel $0xFFFF  }
0x4c: {  	[dreg:$0x0] =	wrdreg $0xFFFFFFFF;
	(pc) =	sbr.abs _section_cstart, $3  }
0x4d: {  	[dreg:$0x1] =	wrdreg $0xFFFFFFFF  }
0x4e: {  	_ =	task.clear_ibuf [dreg:s23], $0x2FFFF;
	_ =	strace $0x9FFFFFFF  }
0x4f: {  	(tm) =	ssettm $0x7FFFFFFF  }
tec
execute0_lowered:
.L_overlay_start_1:
0x0: {  	(tag) =	ssettag $0x1  }
0x1: {  	s0 =	stileid.u32;
	s1 =	srdreg.scid  }
0x2: {  	s7 =	rddreg [dreg:$0x0];
	s2 =	sshll.u32 s0, $0x6;
	s1 =	sshll.u32 s1, $0xA  }
0x3: {  	_ =	strace $0x8000004A;
	s8 =	simm.s32 $0x2;
	s1 =	sor.u32 s2, s1  }
0x4: {  	s19 =	simm.s32 $0x0;
	s9 =	simm.s32 $0x4000;
	s1 =	sand.u32 $0x780, s1  }
0x5: {  	s21 =	simm.s32 $0x0;
	s2 =	sand.u32 $0x1, s0;
	s3 =	ssub.s32 $0x800, s1  }
0x6: {  	s20 =	simm.s32 $0x0;
	s4 =	ssub.s32 $0x2, s2;
	s5 =	sand.u32 $0x780, s3  }
0x7: {  	s6 =	sshrl.u32 s4, $0x1;
	p0 =	sne.s32 s5, $0x0;
	s5 =	simm.s32 $0x1  }
0x8: {  	s4 =	sand.u32 $0x1, s4;
	s3 =	sshrl.u32 s3, $0xB;
	s5 =	simm.s32 @!p0 $0x0  }
0x9: {  	s22 =	simm.s32 $0x0;
	s6 =	sadd.s32 s4, s6;
	s3 =	sadd.s32 s5, s3  }
0xa: {  	s10 =	simm.s32 $0x0;
	s11 =	simm.s32 $0x0;
	s6 =	smul.u32 s3, s6  }
.Ltmp0:
0xb: {  	s12 =	simm.s32 $0x0;
	s13 =	simm.s32 $0x0;
	(pc) =	sbr.rel .LBB1_1-.Ltmp0, $4  }
0xc: {  	s14 =	simm.s32 $0x0;
	s15 =	simm.s32 $0x0;
	s18 =	simm.s32 $0x0  }
0xd: {  	s7 =	sadd.s32 $0x300A00, s7;
	s5 =	simm.s32 $0x1;
	s6 =	smul.u32 $0x30, s6  }
0xe: {  	s17 =	smov.u32 s2;
	s16 =	smov.u32 s1;
	[sflag:s5] =	ssyncpa.u1 $0x0  }
0xf: {  	p0 =	por $0x0, $0x0;
	[sflag:s8] =	ssyncpa.u1 $0x0;
	s8 =	sor.u32 $0x1, s6  }
.LBB1_4:
0x10: {  	s27 =	sshra.s32 s27, $0x2  }
0x11: {  	s28 =	sshll.u32 s10, $0xB;
	s3 =	sshra.s32 s13, $0x1F;
	s29 =	sshll.u32 s12, $0x3  }
0x12: {  	p1 =	sgt.s32 s13, $0x1;
	s30 =	smov.u32 s13;
	s4 =	sshra.s32 s12, $0x1F  }
0x13: {  	s26 =	sadd.s32 s27, s26;
	s0 =	sand.u32 $0xFFFFC000, s28;
	s28 =	sand.u32 s3, s13  }
0x14: {  	s31 =	sand.u32 $0xFFFFFC00, s29;
	s30 =	simm.s32 @!p1 $0x1;
	s3 =	sand.u32 $0x78, s12  }
0x15: {  	s29 =	sand.u32 $0x400, s29;
	s28 =	sxor.u32 $0xFFFFFFFF, s28;
	s27 =	sadd.s32 s31, s0  }
0x16: {  	s3 =	sor.u32 s3, s29;
	s29 =	smov.u32 s12;
	s28 =	sadd.s32 s28, s30  }
0x17: {  	s31 =	smov.u32 s11;
	p1 =	sgt.s32 s28, $0x0;
	s28 =	ssub.s32 $0x1, s28  }
0x18: {  	s0 =	sshra.s32 s11, $0x1F;
	s28 =	simm.s32 @p1 $0x0;
	p1 =	sgt.s32 s12, $0x780  }
0x19: {  	s27 =	sshrl.u32 s27, $0xB;
	s29 =	simm.s32 @!p1 $0x780;
	p1 =	sgt.s32 s11, $0xF  }
0x1a: {  	s30 =	sand.u32 s4, s12;
	s0 =	sand.u32 s0, s11;
	s31 =	simm.s32 @!p1 $0xF  }
0x1b: {  	s29 =	ssub.s32 s29, s30;
	p1 =	sgt.s32 s10, $0xC0;
	s30 =	smov.u32 s10  }
0x1c: {  	s0 =	ssub.s32 s31, s0;
	s4 =	sadd.s32 $0xFFFFF880, s29;
	s30 =	simm.s32 @!p1 $0xC0  }
0x1d: {  	v5 =	vld [tilespmem:s24+$0xFFFFFFD0];
	[tilespmem:s25+$0x2040 ss:$0x81] =	vst.msk $0xffff, v4;
	s29 =	ssub.s32 $0x800, s29;
	p1 =	sgt.s32 s4, $0x7F;
	s31 =	sadd.s32 $0xFFFFFFF1, s0  }
0x1e: {  	v58 =	vld [tilespmem:s24+$0xFFFFFFE0];
	[tilespmem:s25+$0x2850 ss:$0x81] =	vst.msk $0xffff, v3;
	s4 =	sshra.s32 s10, $0x1F;
	s0 =	ssub.s32 $0x10, s0;
	s29 =	simm.s32 @p1 $0x0  }
0x1f: {  	v59 =	vld [tilespmem:s24+$0xFFFFFFF0];
	[tilespmem:s25+$0x3060 ss:$0x81] =	vst.msk $0xffff, v2;
	p1 =	sgt.s32 s31, $0x0;
	s31 =	smulhi.u32 $0xCCCCCD, s27;
	s4 =	sand.u32 s4, s10  }
0x20: {  	[tilespmem:s25+$0x0 ss:$0x81] =	vst.msk $0xffff, v1;
	v60 =	vld [tilespmem:s24+$0x0];
	s4 =	ssub.s32 s30, s4;
	s25 =	smul.u32 s28, s29;
	s30 =	sshll.u32 s10, $0x7  }
0x21: {  	v61 =	vld [tilespmem:s24+$0x10];
	[tilespmem:s26+$0x3870 ss:$0x81] =	vst.msk $0xffff, v0;
	s0 =	simm.s32 @p1 $0x0;
	s29 =	smul.u32 $0x140, s31;
	s28 =	sand.u32 $0x380, s30  }
0x22: {  	v62 =	vld [tilespmem:s24+$0x20];
	[tilespmem:s26+$0x810 ss:$0x81] =	vst.msk $0xffff, v5;
	s31 =	sadd.s32 $0xFFFFFF40, s4;
	s4 =	ssub.s32 $0x140, s4;
	s30 =	smul.u32 $0x140000, s13  }
0x23: {  	v63 =	vld [tilespmem:s24+$0xFFFFFFC0];
	[tilespmem:s26+$0x1020 ss:$0x81] =	vst.msk $0xffff, v58;
	s0 =	smul.u32 s0, s25;
	p1 =	sgt.s32 s31, $0x7F;
	s3 =	sor.u32 s28, s3  }
0x24: {  	[tilespmem:s26+$0x1830 ss:$0x81] =	vst.msk $0xffff, v59;
	s31 =	smul.u32 $0x14000, s11;
	s28 =	rddreg [dreg:$0x1];
	s4 =	simm.s32 @p1 $0x0  }
0x25: {  	[tilespmem:s26+$0x2040 ss:$0x81] =	vst.msk $0xffff, v60;
	s27 =	ssub.s32 s27, s29;
	s0 =	smul.u32 s4, s0;
	s4 =	sadd.s32 s28, s30  }
0x26: {  	[tilespmem:s26+$0x2850 ss:$0x81] =	vst.msk $0xffff, v61;
	s3 =	sshrl.u32 s3, $0x3;
	s29 =	sand.u32 $0x7, s12;
	s4 =	sadd.s32 s31, s4  }
0x27: {  	[tilespmem:s26+$0x3060 ss:$0x81] =	vst.msk $0xffff, v62;
	s30 =	sshll.u32 s27, $0x8;
	s31 =	sshll.u32 s29, $0x12;
	s3 =	sadd.s32 s3, s4  }
0x28: {  	[tilespmem:s26+$0x0 ss:$0x81] =	vst.msk $0xffff, v63;
	s0 =	sand.u32 $0x3FFFFFFF, s0;
	s4 =	sor.u32 $0x400, s31;
	s3 =	sadd.s32 s30, s3  }
0x29: {  	[hbm4b:s3+s4] =	stream.strided.scatter [tilespmem:s23], [sflag:$0x2], s0, s9, s4, $0x20;
	[tilespmem:$0x10100] =	vst v63  }
.LBB1_5:
0x2a: {  	p1 =	slt.u32 s18, $0x2;
	s0 =	smov.u32 s22  }
0x2b: {  	s4 =	smov.u32 s21;
	s23 =	sadd.s32 $0x80, s14;
	s24 =	smov.u32 s16  }
0x2c: {  	s25 =	smov.u32 s17;
	p0 =	por !p0, !p0;
	p2 =	sgt.s32 @!p1 s22, $0x1  }
0x2d: {  	s3 =	sshra.s32 @!p1 s22, $0x1F;
	p3 =	sgt.s32 @!p1 s20, $0x780;
	p2 =	por !p2, p1  }
0x2e: {  	s3 =	sand.u32 @!p1 s3, s22;
	s22 =	sshra.s32 @!p1 s21, $0x1F;
	p3 =	por !p3, p1  }
0x2f: {  	s0 =	simm.s32 @p2 $0x1;
	p2 =	sgt.s32 @!p1 s21, $0xF;
	s3 =	sxor.u32 @!p1 $0xFFFFFFFF, s3  }
0x30: {  	p2 =	por !p2, p1;
	s0 =	sadd.s32 @!p1 s3, s0;
	s3 =	sand.u32 @!p1 s22, s21  }
0x31: {  	s21 =	sshra.s32 @!p1 s20, $0x1F;
	s4 =	simm.s32 @p2 $0xF;
	p2 =	sgt.s32 @!p1 s0, $0x0  }
0x32: {  	s0 =	ssub.s32 @!p1 $0x1, s0;
	s3 =	ssub.s32 @!p1 s4, s3;
	p2 =	por !p2, p1  }
0x33: {  	s4 =	sadd.s32 @!p1 $0xFFFFFFF1, s3;
	s0 =	simm.s32 @!p2 $0x0;
	s3 =	ssub.s32 @!p1 $0x10, s3  }
0x34: {  	p2 =	sgt.s32 @!p1 s4, $0x0;
	s4 =	smov.u32 s20;
	s20 =	sand.u32 @!p1 s21, s20  }
0x35: {  	s21 =	sshra.s32 @!p1 s19, $0x1F;
	s4 =	simm.s32 @p3 $0x780;
	p3 =	sgt.s32 @!p1 s19, $0xC0  }
0x36: {  	p2 =	por !p2, p1;
	s4 =	ssub.s32 @!p1 s4, s20;
	p3 =	por !p3, p1  }
0x37: {  	s20 =	smov.u32 s19;
	s19 =	sand.u32 @!p1 s21, s19;
	s21 =	sadd.s32 @!p1 $0xFFFFF880, s4  }
0x38: {  	s3 =	simm.s32 @!p2 $0x0;
	s20 =	simm.s32 @p3 $0xC0;
	p2 =	sgt.s32 @!p1 s21, $0x7F  }
0x39: {  	s4 =	ssub.s32 @!p1 $0x800, s4;
	s19 =	ssub.s32 @!p1 s20, s19;
	p2 =	por !p2, p1  }
0x3a: {  	s22 =	smov.u32 s13;
	s20 =	sadd.s32 @!p1 $0xFFFFFF40, s19;
	s4 =	simm.s32 @!p2 $0x0  }
0x3b: {  	p2 =	sgt.s32 s23, $0x13F;
	s0 =	smul.u32 @!p1 s0, s4;
	s4 =	simm.s32 $0x1  }
0x3c: {  	s19 =	ssub.s32 @!p1 $0x140, s19;
	p3 =	sgt.s32 @!p1 s20, $0x7F;
	s4 =	simm.s32 @!p2 $0x0  }
0x3d: {  	p3 =	por !p3, p1;
	s0 =	smul.u32 @!p1 s3, s0;
	s3 =	sadd.s32 s4, s15  }
0x3e: {  	s19 =	simm.s32 @!p3 $0x0;
	s4 =	sadd.s32 $0x800, s16;
	p3 =	sgt.s32 s3, $0xF  }
0x3f: {  	s13 =	smov.u32 s17;
	s21 =	smov.u32 s11;
	s24 =	smov.u32 @p3 s4  }
0x40: {  	s23 =	simm.s32 @p2 $0x0;
	s4 =	sadd.s32 $0x2, s17;
	p2 =	sgt.s32 s24, $0x7FF  }
0x41: {  	s11 =	smov.u32 s15;
	s20 =	smov.u32 s12;
	s25 =	smov.u32 @p2 s4  }
0x42: {  	s12 =	smov.u32 s16;
	s24 =	smov.u32 @p2 s1;
	p2 =	sgt.s32 s25, $0x1  }
0x43: {  	s0 =	smul.u32 @!p1 s19, s0;
	s25 =	smov.u32 @p2 s2;
	p2 =	sne.s32 s18, s8  }
.Ltmp1:
0x44: {  	s3 =	simm.s32 @p3 $0x0;
	s19 =	smov.u32 s10;
	(pc) =	sbr.rel @!p2 .LBB1_6-.Ltmp1, $4  }
0x45: {  	s10 =	smov.u32 s14;
	s0 =	sand.u32 @!p1 $0x3FFFFFFF, s0;
	s4 =	simm.s32 @!p1 $0x2  }
0x46: {  	s14 =	smov.u32 s23;
	s15 =	smov.u32 s3;
	_ =	swait.ge @!p1 [sflag:s4], s0  }
0x47: {  	s0 =	ssub.s32 @!p1 $0x0, s0;
	s16 =	smov.u32 s24;
	[sflag:s4] =	ssyncset.done @!p1 $0x0  }
0x48: {  	s18 =	sadd.s32 $0x1, s18;
	[sflag:s4] =	ssyncadd.s32 @!p1 s0;
	s17 =	smov.u32 s25  }
.LBB1_1:
0x49: {  	p1 =	sge.u32 s18, s6  }
0x4a: {  	s23 =	sshrl.u32 @!p1 s15, $0x3  }
0x4b: {  	s24 =	sshll.u32 @!p1 s14, $0x3;
	s23 =	smul.u32 @!p1 $0xC00, s23  }
0x4c: {  	s25 =	sshll.u32 @!p1 s15, $0x7;
	s24 =	sand.u32 @!p1 $0xFFFFFC00, s24  }
0x4d: {  	s23 =	sadd.s32 @!p1 s23, s24;
	s24 =	sand.u32 @!p1 $0x380, s25  }
0x4e: {  	s25 =	sand.u32 @!p1 $0x7F, s14;
	s23 =	sor.u32 @!p1 s24, s23  }
0x4f: {  	s24 =	sor.u32 @!p1 s25, s23  }
0x50: {  	s25 =	smulhi.u32 @!p1 $0xAAAAAAAB, s24  }
0x51: {  	s23 =	smulhi.u32 @!p1 $0xAAAAAAAB, s23  }
0x52: {  	s31 =	sadd.s32 $0xFFFFFFFF, s18;
	s27 =	smul.u32 @!p1 $0x180000, s17;
	s25 =	sshrl.u32 @!p1 s25, $0x8  }
0x53: {  	s26 =	sxor.u32 @!p1 $0xFFFFFFFF, s18;
	s23 =	sshrl.u32 @!p1 s23, $0x8;
	s25 =	smul.u32 @!p1 $0x180, s25  }
0x54: {  	s28 =	smul.u32 @!p1 $0x300, s16;
	s26 =	sshll.u32 @!p1 s26, $0xE;
	s23 =	sand.u32 @!p1 $0xF, s23  }
0x55: {  	s23 =	smul.u32 @!p1 $0x30, s23;
	s24 =	ssub.s32 @!p1 s24, s25;
	s25 =	sadd.s32 @!p1 s7, s27  }
0x56: {  	s26 =	sand.u32 @!p1 $0x4000, s26;
	s25 =	sadd.s32 @!p1 s28, s25;
	s27 =	sand.u32 @!p1 $0x7, s24  }
0x57: {  	s24 =	sshrl.u32 @!p1 s24, $0x3;
	s23 =	sadd.s32 @!p1 s23, s25;
	s25 =	sshll.u32 @!p1 s27, $0x12  }
0x58: {  	s23 =	sadd.s32 @!p1 s24, s23;
	s24 =	sor.u32 @!p1 $0x80, s25;
	s25 =	simm.s32 @!p1 $0x1800  }
0x59: {  	[tilespmem:s26], [sflag:$0x1] =	stream.strided.gather @!p1 [hbm4b:s23+s24], $0x4000, s25, s24, $0x38;
	[tilespmem:$0x10100] =	vst v63  }
0x5a: {  	p1 =	sge.u32 s31, s6  }
.Ltmp2:
0x5b: {  	_ = 	snop;
	(pc) =	sbr.rel @p1 .LBB1_5-.Ltmp2, $1  }
0x5c: {  	_ =	sdelay $0x3  }
0x5d: {  	s23 =	simm.s32 $0x1  }
0x5e: {  	_ =	swait.ge [sflag:s5], $0x4000;
	s23 =	simm.s32 @!p0 $0x0  }
0x5f: {  	[sflag:s5] =	ssyncset.done $0x0;
	s24 =	sshll.u32 s23, $0xE  }
0x60: {  	[sflag:s5] =	ssyncadd.s32 $0xFFFFC000;
	s24 =	sor.u32 $0x40, s24  }
0x61: {  	s23 =	smul.u32 $0x10200, s23;
	v0 =	vld [tilespmem:s24+$0x30]  }
0x62: {  	v1 =	vld [tilespmem:s24+$0xFFFFFFD0]  }
0x63: {  	s23 =	sshrl.u32 s23, $0x2;
	v5 =	vld [tilespmem:s24+$0xFFFFFFE0]  }
0x64: {  	v6 =	vld [tilespmem:s24+$0xFFFFFFF0];
	s26 =	sor.u32 $0x8000, s23  }
0x65: {  	s31 =	sand.u32 $0x1, s18;
	v4 =	vld [tilespmem:s24+$0x0];
	s25 =	sadd.s32 $0x0, s26  }
0x66: {  	v3 =	vld [tilespmem:s24+$0x10];
	s23 =	smul.u32 $0x10200, s31;
	[tilespmem:s25+$0x3870 ss:$0x81] =	vst.msk $0xffff, v0  }
0x67: {  	v2 =	vld [tilespmem:s24+$0x20];
	[tilespmem:s25+$0x810 ss:$0x81] =	vst.msk $0xffff, v1  }
0x68: {  	s23 =	sshrl.u32 s23, $0x2;
	v1 =	vld [tilespmem:s24+$0xFFFFFFC0];
	[tilespmem:s25+$0x1020 ss:$0x81] =	vst.msk $0xffff, v5;
	s24 =	sadd.s32 $0x80, s24  }
0x69: {  	s27 =	simm.s32 $0x4;
	s28 =	simm.s32 $0x8;
	s23 =	sor.u32 $0x8000, s23;
	[tilespmem:s25+$0x1830 ss:$0x81] =	vst.msk $0xffff, v6;
	v0 =	vld [tilespmem:s24+$0x30]  }
.LBB1_3:
0x6a: {  	p1 =	sne.s32 s28, $0x1FC;
	v5 =	vld [tilespmem:s24+$0xFFFFFFD0];
	[tilespmem:s25+$0x2040 ss:$0x81] =	vst.msk $0xffff, v4  }
0x6b: {  	v6 =	vld [tilespmem:s24+$0xFFFFFFE0];
	[tilespmem:s25+$0x2850 ss:$0x81] =	vst.msk $0xffff, v3  }
0x6c: {  	s29 =	sshra.s32 s27, $0x2;
	s27 =	smov.u32 s28;
	v7 =	vld [tilespmem:s24+$0xFFFFFFF0];
	[tilespmem:s25+$0x3060 ss:$0x81] =	vst.msk $0xffff, v2  }
.Ltmp3:
0x6d: {  	v4 =	vld [tilespmem:s24+$0x0];
	[tilespmem:s25+$0x0 ss:$0x81] =	vst.msk $0xffff, v1;
	s25 =	sadd.s32 s29, s26;
	(pc) =	sbr.rel @p1 .LBB1_3-.Ltmp3, $4  }
0x6e: {  	v3 =	vld [tilespmem:s24+$0x10];
	[tilespmem:s25+$0x3870 ss:$0x81] =	vst.msk $0xffff, v0  }
0x6f: {  	[tilespmem:s25+$0x810 ss:$0x81] =	vst.msk $0xffff, v5;
	v2 =	vld [tilespmem:s24+$0x20]  }
0x70: {  	v1 =	vld [tilespmem:s24+$0xFFFFFFC0];
	[tilespmem:s25+$0x1020 ss:$0x81] =	vst.msk $0xffff, v6;
	s24 =	sadd.s32 $0x80, s24  }
0x71: {  	s28 =	sadd.s32 $0x4, s28;
	v0 =	vld [tilespmem:s24+$0x30];
	[tilespmem:s25+$0x1830 ss:$0x81] =	vst.msk $0xffff, v7  }
.Ltmp4:
0x72: {  	_ = 	snop;
	(pc) =	sbr.rel .LBB1_4-.Ltmp4, $1  }
0x73: {  	_ =	sdelay $0x3  }
.LBB1_6:
0x74: {  	_ =	sfence.sel $0x180000  }
0x75: {  	s0 =	simm.s32 $0x1;
	[bflag:$0x0] =	sbarrier.arrive $0xFFFF  }
0x76: {  	s30 =	simm.s32 $0x2;
	[sflag:s0] =	ssyncpa.u1 $0x1  }
0x77: {  	[sflag:s30] =	ssyncpa.u1 $0x1  }
0x78: {  	_ =	strace $0x9000004A  }
0x79: {  	s31 =	stileid.u32;
	[bflag:$0x2] =	sbarrier.arrive $0xFFFF  }
0x7a: {  	p0 =	sne.s32 s31, $0x0;
	s0 =	rddreg [dreg:$0x2]  }
0x7b: {  	s0 =	sadd.s32 @!p0 $0x100000, s0  }
0x7c: {  	[sflag:s0] =	ssyncadd.tile.s32 @!p0 $0x1;
	_ =	shalt  }
.Lfunc_end1:
_tile_overlayer_lowered:
.L_overlay_start_2:
0x7d: {  	(tag) =	ssettag $0x2  }
0x7e: {  	s0 =	rddreg [dreg:$0x0];
	s2 =	stileid.u32  }
0x7f: {  	s1 =	rddreg [dreg:$0x1];
	p0 =	sne.s32 s2, $0x0  }
0x80: {  	s3 =	rddreg [dreg:$0x2];
	[bflag:$0x3] =	sbarrier.arrive $0xFFFF;
	s2 =	simm.s32 @!p0 $0x1C01  }
0x81: {  	[timem:s3], [sflag:s2] =	dma.local @!p0 [hbm:s0], s1  }
0x82: {  	s0 =	simm.s32 @!p0 $0x1  }
0x83: {  	_ =	swait.ge @!p0 [sflag:s0], s1  }
0x84: {  	s1 =	ssub.s32 @!p0 $0x0, s1;
	[sflag:s0] =	ssyncset.done @!p0 $0x0  }
0x85: {  	[sflag:s0] =	ssyncadd.s32 @!p0 s1  }
0x86: {  	[bflag:$0x3] =	sbarrier.arrive $0xFFFF  }
0x87: {  	_ =	shalt  }

// kernel: sparse-core-data-format-call.cloned.1.call-start
scs
called_computation_lowered:
.L_overlay_start_0:
0x0: {  	s2 =	sld [smem:$0x3FD9]  }
0x1: {  	s3 =	sld [smem:$0x3FFE];
	_ =	sdelay $0x1  }
0x2: {  	s1 =	srdreg.scid  }
0x3: {  	s0 =	sand.u32 $0x1, s1  }
0x4: {  	s15 =	sshll.u32 s0, $0xA;
	s2 =	sadd.s32 s3, s2  }
0x5: {  	s2 =	sadd.s32 s2, s15  }
0x6: {  	[smem:$0x3FC5] =	sst s2  }
0x7: {  	_ = 	snop  }
0x8: {  	s2 =	sld [smem:$0x3FD0];
	_ =	sdelay $0x2  }
0x9: {  	s16 =	simm.s32 $0xB;
	s4 =	simm.s32 $0x10  }
0xa: {  	[smem:s4], [sflag:s16] =	dma.local [hbm:s2], $0x1  }
0xb: {  	_ =	swait.eq [sflag:s16], $0x1  }
0xc: {  	[sflag:s16] =	ssyncset.done $0x0  }
0xd: {  	[sflag:s16] =	ssyncadd.s32 $0xFFFFFFFF  }
0xe: {  	s17 =	sld [smem:$0x11];
	(tm) =	ssettm $0x1  }
0xf: {  	s18 =	sld [smem:$0x3FFB];
	_ =	sdelay $0x3  }
0x10: {  	_ =	strace s18  }
0x11: {  	s3 =	sld [smem:$0x3FFC];
	_ =	sdelay $0x3  }
0x12: {  	_ =	strace s3  }
0x13: {  	s3 =	sld [smem:$0x3FFD];
	_ =	sdelay $0x3  }
0x14: {  	_ =	strace s3  }
0x15: {  	_ =	strace $0x8FFFFFFF  }
0x16: {  	s19 =	sld [smem:$0x3FDB];
	_ =	sdelay $0x1  }
0x17: {  	s20 =	simm.s32 $_scs_section_size  }
0x18: {  	s5 =	simm.s32 $_size__tile_overlayer_lowered;
	s6 =	simm.s32 $_tile_overlayer_lowered  }
0x19: {  	s23 =	simm.s32 $0x1BFF;
	s22 =	sshll.u32 s6, $0x1;
	s3 =	sadd.s32 s20, s19  }
0x1a: {  	s7 =	simm.s32 $0x0;
	s21 =	sshll.u32 s5, $0x1;
	s5 =	sadd.s32 s22, s3  }
0x1b: {  	[timem:s7], [sflag:s23] =	dma.local [hbm:s5], s21  }
0x1c: {  	_ =	swait.ge [sflag:s23], s21  }
0x1d: {  	s4 =	ssub.s32 $0x0, s21;
	[sflag:s23] =	ssyncset.done $0x0  }
0x1e: {  	[sflag:s23] =	ssyncadd.s32 s4;
	_ =	sdelay $0x1  }
0x1f: {  	s24 =	simm.s32 $0x1B8B  }
0x20: {  	_ =	swait.ge [sflag:s24], $0x1  }
0x21: {  	[sflag:s24] =	ssyncset.done $0x0  }
0x22: {  	s26 =	simm.s32 $0x1B8E;
	s25 =	sld [smem:$0x3FFE];
	[sflag:s24] =	ssyncadd.s32 $0xFFFFFFFF  }
0x23: {  	s27 =	simm.s32 $execute0_lowered;
	[smem:$0x3FD2] =	sst s26  }
0x24: {  	s5 =	sshll.u32 s27, $0x1;
	_ =	strace $0x80000046;
	[dreg:$0x1] =	wrdreg $0xFFFFFFFF  }
0x25: {  	s28 =	simm.s32 $_size_execute0_lowered;
	s3 =	sadd.s32 s3, s5;
	[dreg:$0x0] =	wrdreg $0x0  }
0x26: {  	s5 =	sshll.u32 s28, $0x1;
	[dreg:$0x2] =	wrdreg s3  }
0x27: {  	[dreg:$0x3] =	wrdreg s5  }
0x28: {  	[dreg:$0x4] =	wrdreg $0xC0  }
0x29: {  	_ =	task [dreg:s7], $0x5FFFF  }
0x2a: {  	[dreg:$0x1] =	wrdreg $0xFFFFFFFF  }
0x2b: {  	[dreg:$0x0] =	wrdreg $0x60  }
0x2c: {  	[dreg:$0x2] =	wrdreg s25  }
0x2d: {  	[dreg:$0x3] =	wrdreg s17  }
0x2e: {  	[dreg:$0x4] =	wrdreg $0x9  }
0x2f: {  	_ =	task.clear_ibuf [dreg:s7], $0x5FFFF;
	_ =	strace $0x90000046  }
0x30: {  	s29 =	simm.s32 $0x9;
	_ =	strace $0x80000048  }
0x31: {  	_ =	swait.ge [sflag:s29], $0x1  }
0x32: {  	[sflag:s29] =	ssyncadd.s32 $0xFFFFFFFF  }
0x33: {  	_ =	strace $0x90000048  }
0x34: {  	_ =	sfence  }
0x35: {  	s30 =	sld [smem:$0x0];
	_ =	sdelay $0x2  }
0x36: {  	s31 =	sshll.u32 s1, $0xD;
	s1 =	sshrl.u32 s1, $0x2  }
0x37: {  	s3 =	sand.u32 $0x4000, s31;
	s1 =	sadd.s32 s1, s30  }
0x38: {  	s0 =	sor.u32 s3, s0;
	s1 =	sshll.u32 s1, $0x11  }
0x39: {  	s0 =	sor.u32 s1, s0  }
0x3a: {  	s0 =	sadd.s32 $0x8F2B, s0  }
0x3b: {  	[sflag:s0] =	ssyncadd.remote.s32 $0x1  }
0x3c: {  	_ =	sfence.sel $0xFFFF  }
0x3d: {  	[dreg:$0x0] =	wrdreg $0xFFFFFFFF;
	(pc) =	sbr.abs _section_cstart, $3  }
0x3e: {  	[dreg:$0x1] =	wrdreg $0xFFFFFFFF  }
0x3f: {  	_ =	task.clear_ibuf [dreg:s7], $0x2FFFF;
	_ =	strace $0x9FFFFFFF  }
0x40: {  	(tm) =	ssettm $0x7FFFFFFF  }
0x41: {  	_ =	shalt  }
tec
execute0_lowered:
.L_overlay_start_1:
0x0: {  	(tag) =	ssettag $0x1  }
0x1: {  	s0 =	stileid.u32;
	s1 =	srdreg.scid  }
0x2: {  	s7 =	rddreg [dreg:$0x0];
	s2 =	sshll.u32 s0, $0x6;
	s1 =	sshll.u32 s1, $0xA  }
0x3: {  	_ =	strace $0x80000047;
	s8 =	simm.s32 $0x2;
	s1 =	sor.u32 s2, s1  }
0x4: {  	s19 =	simm.s32 $0x0;
	s9 =	simm.s32 $0x4000;
	s1 =	sand.u32 $0x780, s1  }
0x5: {  	s21 =	simm.s32 $0x0;
	s2 =	sand.u32 $0x1, s0;
	s3 =	ssub.s32 $0x800, s1  }
0x6: {  	s20 =	simm.s32 $0x0;
	s4 =	ssub.s32 $0x2, s2;
	s5 =	sand.u32 $0x780, s3  }
0x7: {  	s6 =	sshrl.u32 s4, $0x1;
	p0 =	sne.s32 s5, $0x0;
	s5 =	simm.s32 $0x1  }
0x8: {  	s4 =	sand.u32 $0x1, s4;
	s3 =	sshrl.u32 s3, $0xB;
	s5 =	simm.s32 @!p0 $0x0  }
0x9: {  	s22 =	simm.s32 $0x0;
	s6 =	sadd.s32 s4, s6;
	s3 =	sadd.s32 s5, s3  }
0xa: {  	s10 =	simm.s32 $0x0;
	s11 =	simm.s32 $0x0;
	s6 =	smul.u32 s3, s6  }
.Ltmp0:
0xb: {  	s12 =	simm.s32 $0x0;
	s13 =	simm.s32 $0x0;
	(pc) =	sbr.rel .LBB1_1-.Ltmp0, $4  }
0xc: {  	s14 =	simm.s32 $0x0;
	s15 =	simm.s32 $0x0;
	s18 =	simm.s32 $0x0  }
0xd: {  	s7 =	sadd.s32 $0xA00, s7;
	s5 =	simm.s32 $0x1;
	s6 =	smul.u32 $0x30, s6  }
0xe: {  	s17 =	smov.u32 s2;
	s16 =	smov.u32 s1;
	[sflag:s5] =	ssyncpa.u1 $0x0  }
0xf: {  	p0 =	por $0x0, $0x0;
	[sflag:s8] =	ssyncpa.u1 $0x0;
	s8 =	sor.u32 $0x1, s6  }
.LBB1_4:
0x10: {  	s27 =	sshra.s32 s27, $0x2  }
0x11: {  	s28 =	sshll.u32 s10, $0xB;
	s3 =	sshra.s32 s13, $0x1F;
	s29 =	sshll.u32 s12, $0x3  }
0x12: {  	p1 =	sgt.s32 s13, $0x1;
	s30 =	smov.u32 s13;
	s4 =	sshra.s32 s12, $0x1F  }
0x13: {  	s26 =	sadd.s32 s27, s26;
	s0 =	sand.u32 $0xFFFFC000, s28;
	s28 =	sand.u32 s3, s13  }
0x14: {  	s31 =	sand.u32 $0xFFFFFC00, s29;
	s30 =	simm.s32 @!p1 $0x1;
	s3 =	sand.u32 $0x78, s12  }
0x15: {  	s29 =	sand.u32 $0x400, s29;
	s28 =	sxor.u32 $0xFFFFFFFF, s28;
	s27 =	sadd.s32 s31, s0  }
0x16: {  	s3 =	sor.u32 s3, s29;
	s29 =	smov.u32 s12;
	s28 =	sadd.s32 s28, s30  }
0x17: {  	s31 =	smov.u32 s11;
	p1 =	sgt.s32 s28, $0x0;
	s28 =	ssub.s32 $0x1, s28  }
0x18: {  	s0 =	sshra.s32 s11, $0x1F;
	s28 =	simm.s32 @p1 $0x0;
	p1 =	sgt.s32 s12, $0x780  }
0x19: {  	s27 =	sshrl.u32 s27, $0xB;
	s29 =	simm.s32 @!p1 $0x780;
	p1 =	sgt.s32 s11, $0xF  }
0x1a: {  	s30 =	sand.u32 s4, s12;
	s0 =	sand.u32 s0, s11;
	s31 =	simm.s32 @!p1 $0xF  }
0x1b: {  	s29 =	ssub.s32 s29, s30;
	p1 =	sgt.s32 s10, $0xC0;
	s30 =	smov.u32 s10  }
0x1c: {  	s0 =	ssub.s32 s31, s0;
	s4 =	sadd.s32 $0xFFFFF880, s29;
	s30 =	simm.s32 @!p1 $0xC0  }
0x1d: {  	v5 =	vld [tilespmem:s24+$0xFFFFFFD0];
	[tilespmem:s25+$0x2040 ss:$0x81] =	vst.msk $0xffff, v4;
	s29 =	ssub.s32 $0x800, s29;
	p1 =	sgt.s32 s4, $0x7F;
	s31 =	sadd.s32 $0xFFFFFFF1, s0  }
0x1e: {  	v58 =	vld [tilespmem:s24+$0xFFFFFFE0];
	[tilespmem:s25+$0x2850 ss:$0x81] =	vst.msk $0xffff, v3;
	s4 =	sshra.s32 s10, $0x1F;
	s0 =	ssub.s32 $0x10, s0;
	s29 =	simm.s32 @p1 $0x0  }
0x1f: {  	v59 =	vld [tilespmem:s24+$0xFFFFFFF0];
	[tilespmem:s25+$0x3060 ss:$0x81] =	vst.msk $0xffff, v2;
	p1 =	sgt.s32 s31, $0x0;
	s31 =	smulhi.u32 $0xCCCCCD, s27;
	s4 =	sand.u32 s4, s10  }
0x20: {  	[tilespmem:s25+$0x0 ss:$0x81] =	vst.msk $0xffff, v1;
	v60 =	vld [tilespmem:s24+$0x0];
	s4 =	ssub.s32 s30, s4;
	s25 =	smul.u32 s28, s29;
	s30 =	sshll.u32 s10, $0x7  }
0x21: {  	v61 =	vld [tilespmem:s24+$0x10];
	[tilespmem:s26+$0x3870 ss:$0x81] =	vst.msk $0xffff, v0;
	s0 =	simm.s32 @p1 $0x0;
	s29 =	smul.u32 $0x140, s31;
	s28 =	sand.u32 $0x380, s30  }
0x22: {  	v62 =	vld [tilespmem:s24+$0x20];
	[tilespmem:s26+$0x810 ss:$0x81] =	vst.msk $0xffff, v5;
	s31 =	sadd.s32 $0xFFFFFF40, s4;
	s4 =	ssub.s32 $0x140, s4;
	s30 =	smul.u32 $0x140000, s13  }
0x23: {  	v63 =	vld [tilespmem:s24+$0xFFFFFFC0];
	[tilespmem:s26+$0x1020 ss:$0x81] =	vst.msk $0xffff, v58;
	s0 =	smul.u32 s0, s25;
	p1 =	sgt.s32 s31, $0x7F;
	s3 =	sor.u32 s28, s3  }
0x24: {  	[tilespmem:s26+$0x1830 ss:$0x81] =	vst.msk $0xffff, v59;
	s31 =	smul.u32 $0x14000, s11;
	s28 =	rddreg [dreg:$0x1];
	s4 =	simm.s32 @p1 $0x0  }
0x25: {  	[tilespmem:s26+$0x2040 ss:$0x81] =	vst.msk $0xffff, v60;
	s27 =	ssub.s32 s27, s29;
	s0 =	smul.u32 s4, s0;
	s4 =	sadd.s32 s28, s30  }
0x26: {  	[tilespmem:s26+$0x2850 ss:$0x81] =	vst.msk $0xffff, v61;
	s3 =	sshrl.u32 s3, $0x3;
	s29 =	sand.u32 $0x7, s12;
	s4 =	sadd.s32 s31, s4  }
0x27: {  	[tilespmem:s26+$0x3060 ss:$0x81] =	vst.msk $0xffff, v62;
	s30 =	sshll.u32 s27, $0x8;
	s31 =	sshll.u32 s29, $0x12;
	s3 =	sadd.s32 s3, s4  }
0x28: {  	[tilespmem:s26+$0x0 ss:$0x81] =	vst.msk $0xffff, v63;
	s0 =	sand.u32 $0x3FFFFFFF, s0;
	s4 =	sor.u32 $0x400, s31;
	s3 =	sadd.s32 s30, s3  }
0x29: {  	[hbm4b:s3+s4] =	stream.strided.scatter [tilespmem:s23], [sflag:$0x2], s0, s9, s4, $0x20;
	[tilespmem:$0x10100] =	vst v63  }
.LBB1_5:
0x2a: {  	p1 =	slt.u32 s18, $0x2;
	s0 =	smov.u32 s22  }
0x2b: {  	s4 =	smov.u32 s21;
	s23 =	sadd.s32 $0x80, s14;
	s24 =	smov.u32 s16  }
0x2c: {  	s25 =	smov.u32 s17;
	p0 =	por !p0, !p0;
	p2 =	sgt.s32 @!p1 s22, $0x1  }
0x2d: {  	s3 =	sshra.s32 @!p1 s22, $0x1F;
	p3 =	sgt.s32 @!p1 s20, $0x780;
	p2 =	por !p2, p1  }
0x2e: {  	s3 =	sand.u32 @!p1 s3, s22;
	s22 =	sshra.s32 @!p1 s21, $0x1F;
	p3 =	por !p3, p1  }
0x2f: {  	s0 =	simm.s32 @p2 $0x1;
	p2 =	sgt.s32 @!p1 s21, $0xF;
	s3 =	sxor.u32 @!p1 $0xFFFFFFFF, s3  }
0x30: {  	p2 =	por !p2, p1;
	s0 =	sadd.s32 @!p1 s3, s0;
	s3 =	sand.u32 @!p1 s22, s21  }
0x31: {  	s21 =	sshra.s32 @!p1 s20, $0x1F;
	s4 =	simm.s32 @p2 $0xF;
	p2 =	sgt.s32 @!p1 s0, $0x0  }
0x32: {  	s0 =	ssub.s32 @!p1 $0x1, s0;
	s3 =	ssub.s32 @!p1 s4, s3;
	p2 =	por !p2, p1  }
0x33: {  	s4 =	sadd.s32 @!p1 $0xFFFFFFF1, s3;
	s0 =	simm.s32 @!p2 $0x0;
	s3 =	ssub.s32 @!p1 $0x10, s3  }
0x34: {  	p2 =	sgt.s32 @!p1 s4, $0x0;
	s4 =	smov.u32 s20;
	s20 =	sand.u32 @!p1 s21, s20  }
0x35: {  	s21 =	sshra.s32 @!p1 s19, $0x1F;
	s4 =	simm.s32 @p3 $0x780;
	p3 =	sgt.s32 @!p1 s19, $0xC0  }
0x36: {  	p2 =	por !p2, p1;
	s4 =	ssub.s32 @!p1 s4, s20;
	p3 =	por !p3, p1  }
0x37: {  	s20 =	smov.u32 s19;
	s19 =	sand.u32 @!p1 s21, s19;
	s21 =	sadd.s32 @!p1 $0xFFFFF880, s4  }
0x38: {  	s3 =	simm.s32 @!p2 $0x0;
	s20 =	simm.s32 @p3 $0xC0;
	p2 =	sgt.s32 @!p1 s21, $0x7F  }
0x39: {  	s4 =	ssub.s32 @!p1 $0x800, s4;
	s19 =	ssub.s32 @!p1 s20, s19;
	p2 =	por !p2, p1  }
0x3a: {  	s22 =	smov.u32 s13;
	s20 =	sadd.s32 @!p1 $0xFFFFFF40, s19;
	s4 =	simm.s32 @!p2 $0x0  }
0x3b: {  	p2 =	sgt.s32 s23, $0x13F;
	s0 =	smul.u32 @!p1 s0, s4;
	s4 =	simm.s32 $0x1  }
0x3c: {  	s19 =	ssub.s32 @!p1 $0x140, s19;
	p3 =	sgt.s32 @!p1 s20, $0x7F;
	s4 =	simm.s32 @!p2 $0x0  }
0x3d: {  	p3 =	por !p3, p1;
	s0 =	smul.u32 @!p1 s3, s0;
	s3 =	sadd.s32 s4, s15  }
0x3e: {  	s19 =	simm.s32 @!p3 $0x0;
	s4 =	sadd.s32 $0x800, s16;
	p3 =	sgt.s32 s3, $0xF  }
0x3f: {  	s13 =	smov.u32 s17;
	s21 =	smov.u32 s11;
	s24 =	smov.u32 @p3 s4  }
0x40: {  	s23 =	simm.s32 @p2 $0x0;
	s4 =	sadd.s32 $0x2, s17;
	p2 =	sgt.s32 s24, $0x7FF  }
0x41: {  	s11 =	smov.u32 s15;
	s20 =	smov.u32 s12;
	s25 =	smov.u32 @p2 s4  }
0x42: {  	s12 =	smov.u32 s16;
	s24 =	smov.u32 @p2 s1;
	p2 =	sgt.s32 s25, $0x1  }
0x43: {  	s0 =	smul.u32 @!p1 s19, s0;
	s25 =	smov.u32 @p2 s2;
	p2 =	sne.s32 s18, s8  }
.Ltmp1:
0x44: {  	s3 =	simm.s32 @p3 $0x0;
	s19 =	smov.u32 s10;
	(pc) =	sbr.rel @!p2 .LBB1_6-.Ltmp1, $4  }
0x45: {  	s10 =	smov.u32 s14;
	s0 =	sand.u32 @!p1 $0x3FFFFFFF, s0;
	s4 =	simm.s32 @!p1 $0x2  }
0x46: {  	s14 =	smov.u32 s23;
	s15 =	smov.u32 s3;
	_ =	swait.ge @!p1 [sflag:s4], s0  }
0x47: {  	s0 =	ssub.s32 @!p1 $0x0, s0;
	s16 =	smov.u32 s24;
	[sflag:s4] =	ssyncset.done @!p1 $0x0  }
0x48: {  	s18 =	sadd.s32 $0x1, s18;
	[sflag:s4] =	ssyncadd.s32 @!p1 s0;
	s17 =	smov.u32 s25  }
.LBB1_1:
0x49: {  	p1 =	sge.u32 s18, s6  }
0x4a: {  	s23 =	sshrl.u32 @!p1 s15, $0x3  }
0x4b: {  	s24 =	sshll.u32 @!p1 s14, $0x3;
	s23 =	smul.u32 @!p1 $0xC00, s23  }
0x4c: {  	s25 =	sshll.u32 @!p1 s15, $0x7;
	s24 =	sand.u32 @!p1 $0xFFFFFC00, s24  }
0x4d: {  	s23 =	sadd.s32 @!p1 s23, s24;
	s24 =	sand.u32 @!p1 $0x380, s25  }
0x4e: {  	s25 =	sand.u32 @!p1 $0x7F, s14;
	s23 =	sor.u32 @!p1 s24, s23  }
0x4f: {  	s24 =	sor.u32 @!p1 s25, s23  }
0x50: {  	s25 =	smulhi.u32 @!p1 $0xAAAAAAAB, s24  }
0x51: {  	s23 =	smulhi.u32 @!p1 $0xAAAAAAAB, s23  }
0x52: {  	s31 =	sadd.s32 $0xFFFFFFFF, s18;
	s27 =	smul.u32 @!p1 $0x180000, s17;
	s25 =	sshrl.u32 @!p1 s25, $0x8  }
0x53: {  	s26 =	sxor.u32 @!p1 $0xFFFFFFFF, s18;
	s23 =	sshrl.u32 @!p1 s23, $0x8;
	s25 =	smul.u32 @!p1 $0x180, s25  }
0x54: {  	s28 =	smul.u32 @!p1 $0x300, s16;
	s26 =	sshll.u32 @!p1 s26, $0xE;
	s23 =	sand.u32 @!p1 $0xF, s23  }
0x55: {  	s23 =	smul.u32 @!p1 $0x30, s23;
	s24 =	ssub.s32 @!p1 s24, s25;
	s25 =	sadd.s32 @!p1 s7, s27  }
0x56: {  	s26 =	sand.u32 @!p1 $0x4000, s26;
	s25 =	sadd.s32 @!p1 s28, s25;
	s27 =	sand.u32 @!p1 $0x7, s24  }
0x57: {  	s24 =	sshrl.u32 @!p1 s24, $0x3;
	s23 =	sadd.s32 @!p1 s23, s25;
	s25 =	sshll.u32 @!p1 s27, $0x12  }
0x58: {  	s23 =	sadd.s32 @!p1 s24, s23;
	s24 =	sor.u32 @!p1 $0x80, s25;
	s25 =	simm.s32 @!p1 $0x1800  }
0x59: {  	[tilespmem:s26], [sflag:$0x1] =	stream.strided.gather @!p1 [hbm4b:s23+s24], $0x4000, s25, s24, $0x38;
	[tilespmem:$0x10100] =	vst v63  }
0x5a: {  	p1 =	sge.u32 s31, s6  }
.Ltmp2:
0x5b: {  	_ = 	snop;
	(pc) =	sbr.rel @p1 .LBB1_5-.Ltmp2, $1  }
0x5c: {  	_ =	sdelay $0x3  }
0x5d: {  	s23 =	simm.s32 $0x1  }
0x5e: {  	_ =	swait.ge [sflag:s5], $0x4000;
	s23 =	simm.s32 @!p0 $0x0  }
0x5f: {  	[sflag:s5] =	ssyncset.done $0x0;
	s24 =	sshll.u32 s23, $0xE  }
0x60: {  	[sflag:s5] =	ssyncadd.s32 $0xFFFFC000;
	s24 =	sor.u32 $0x40, s24  }
0x61: {  	s23 =	smul.u32 $0x10200, s23;
	v0 =	vld [tilespmem:s24+$0x30]  }
0x62: {  	v1 =	vld [tilespmem:s24+$0xFFFFFFD0]  }
0x63: {  	s23 =	sshrl.u32 s23, $0x2;
	v5 =	vld [tilespmem:s24+$0xFFFFFFE0]  }
0x64: {  	v6 =	vld [tilespmem:s24+$0xFFFFFFF0];
	s26 =	sor.u32 $0x8000, s23  }
0x65: {  	s31 =	sand.u32 $0x1, s18;
	v4 =	vld [tilespmem:s24+$0x0];
	s25 =	sadd.s32 $0x0, s26  }
0x66: {  	v3 =	vld [tilespmem:s24+$0x10];
	s23 =	smul.u32 $0x10200, s31;
	[tilespmem:s25+$0x3870 ss:$0x81] =	vst.msk $0xffff, v0  }
0x67: {  	v2 =	vld [tilespmem:s24+$0x20];
	[tilespmem:s25+$0x810 ss:$0x81] =	vst.msk $0xffff, v1  }
0x68: {  	s23 =	sshrl.u32 s23, $0x2;
	v1 =	vld [tilespmem:s24+$0xFFFFFFC0];
	[tilespmem:s25+$0x1020 ss:$0x81] =	vst.msk $0xffff, v5;
	s24 =	sadd.s32 $0x80, s24  }
0x69: {  	s27 =	simm.s32 $0x4;
	s28 =	simm.s32 $0x8;
	s23 =	sor.u32 $0x8000, s23;
	[tilespmem:s25+$0x1830 ss:$0x81] =	vst.msk $0xffff, v6;
	v0 =	vld [tilespmem:s24+$0x30]  }
.LBB1_3:
0x6a: {  	p1 =	sne.s32 s28, $0x1FC;
	v5 =	vld [tilespmem:s24+$0xFFFFFFD0];
	[tilespmem:s25+$0x2040 ss:$0x81] =	vst.msk $0xffff, v4  }
0x6b: {  	v6 =	vld [tilespmem:s24+$0xFFFFFFE0];
	[tilespmem:s25+$0x2850 ss:$0x81] =	vst.msk $0xffff, v3  }
0x6c: {  	s29 =	sshra.s32 s27, $0x2;
	s27 =	smov.u32 s28;
	v7 =	vld [tilespmem:s24+$0xFFFFFFF0];
	[tilespmem:s25+$0x3060 ss:$0x81] =	vst.msk $0xffff, v2  }
.Ltmp3:
0x6d: {  	v4 =	vld [tilespmem:s24+$0x0];
	[tilespmem:s25+$0x0 ss:$0x81] =	vst.msk $0xffff, v1;
	s25 =	sadd.s32 s29, s26;
	(pc) =	sbr.rel @p1 .LBB1_3-.Ltmp3, $4  }
0x6e: {  	v3 =	vld [tilespmem:s24+$0x10];
	[tilespmem:s25+$0x3870 ss:$0x81] =	vst.msk $0xffff, v0  }
0x6f: {  	[tilespmem:s25+$0x810 ss:$0x81] =	vst.msk $0xffff, v5;
	v2 =	vld [tilespmem:s24+$0x20]  }
0x70: {  	v1 =	vld [tilespmem:s24+$0xFFFFFFC0];
	[tilespmem:s25+$0x1020 ss:$0x81] =	vst.msk $0xffff, v6;
	s24 =	sadd.s32 $0x80, s24  }
0x71: {  	s28 =	sadd.s32 $0x4, s28;
	v0 =	vld [tilespmem:s24+$0x30];
	[tilespmem:s25+$0x1830 ss:$0x81] =	vst.msk $0xffff, v7  }
.Ltmp4:
0x72: {  	_ = 	snop;
	(pc) =	sbr.rel .LBB1_4-.Ltmp4, $1  }
0x73: {  	_ =	sdelay $0x3  }
.LBB1_6:
0x74: {  	_ =	sfence.sel $0x180000  }
0x75: {  	s0 =	simm.s32 $0x1;
	[bflag:$0x0] =	sbarrier.arrive $0xFFFF  }
0x76: {  	s30 =	simm.s32 $0x2;
	[sflag:s0] =	ssyncpa.u1 $0x1  }
0x77: {  	[sflag:s30] =	ssyncpa.u1 $0x1  }
0x78: {  	_ =	strace $0x90000047  }
0x79: {  	s31 =	stileid.u32;
	[bflag:$0x2] =	sbarrier.arrive $0xFFFF  }
0x7a: {  	p0 =	sne.s32 s31, $0x0;
	s0 =	rddreg [dreg:$0x2]  }
0x7b: {  	s0 =	sadd.s32 @!p0 $0x100000, s0  }
0x7c: {  	[sflag:s0] =	ssyncadd.tile.s32 @!p0 $0x1;
	_ =	shalt  }
.Lfunc_end1:
_tile_overlayer_lowered:
.L_overlay_start_2:
0x7d: {  	(tag) =	ssettag $0x2  }
0x7e: {  	s0 =	rddreg [dreg:$0x0];
	s2 =	stileid.u32  }
0x7f: {  	s1 =	rddreg [dreg:$0x1];
	p0 =	sne.s32 s2, $0x0  }
0x80: {  	s3 =	rddreg [dreg:$0x2];
	[bflag:$0x3] =	sbarrier.arrive $0xFFFF;
	s2 =	simm.s32 @!p0 $0x1C01  }
0x81: {  	[timem:s3], [sflag:s2] =	dma.local @!p0 [hbm:s0], s1  }
0x82: {  	s0 =	simm.s32 @!p0 $0x1  }
0x83: {  	_ =	swait.ge @!p0 [sflag:s0], s1  }
0x84: {  	s1 =	ssub.s32 @!p0 $0x0, s1;
	[sflag:s0] =	ssyncset.done @!p0 $0x0  }
0x85: {  	[sflag:s0] =	ssyncadd.s32 @!p0 s1  }
0x86: {  	[bflag:$0x3] =	sbarrier.arrive $0xFFFF  }
0x87: {  	_ =	shalt  }

</sc_bundles>
